<compile_context>
chip_gen: v7x
topology: tpu7x:2x2x1
jax: 0.10.2.dev20260603
libtpu: 0.0.44.dev20260713+nightly
codegen_flags: <defaults>
</compile_context>

<pallas_src>
import functools

import jax
import jax.numpy as jnp
from jax import lax
from jax.experimental import pallas as pl
from jax.experimental.pallas import tpu as pltpu
from jax.experimental.pallas import tpu_sc as plsc

_B = 4096
_M = 8192
_NW = 32
_ROWS_PER_W = _B // _NW
_CHUNK_ROWS = 8
_NCHUNK = _ROWS_PER_W // _CHUNK_ROWS
_CHUNK_WORDS = _CHUNK_ROWS * _M
_TC_ROWS = 256

_mesh = plsc.VectorSubcoreMesh(core_axis_name="c", subcore_axis_name="s")


def _argmax_body(x_ref, idx_ref):
    x = x_ref[:, :]
    m = jnp.max(x, axis=1, keepdims=True)
    iota = lax.broadcasted_iota(jnp.int32, x.shape, 1)
    idx_ref[:, :] = jnp.min(jnp.where(x == m, iota, _M), axis=1, keepdims=True)


def _tc_argmax(logits):
    return pl.pallas_call(
        _argmax_body,
        grid=(_B // _TC_ROWS,),
        in_specs=[pl.BlockSpec((_TC_ROWS, _M), lambda i: (i, 0))],
        out_specs=pl.BlockSpec((_TC_ROWS, 1), lambda i: (i, 0)),
        out_shape=jax.ShapeDtypeStruct((_B, 1), jnp.int32),
    )(logits)


@functools.partial(
    pl.kernel,
    mesh=_mesh,
    out_type=(),
    scratch_types=[
        pltpu.VMEM((_CHUNK_WORDS,), jnp.float32),
        pltpu.SemaphoreType.DMA,
    ],
)
def _sc_fill(out_hbm, zbuf, sem):
    def zb(i, carry):
        zbuf[pl.ds(i * 16, 16)] = jnp.zeros((16,), jnp.float32)
        return carry

    lax.fori_loop(0, _CHUNK_WORDS // 16, zb, 0)
    wid = lax.axis_index("s") * 2 + lax.axis_index("c")
    base = wid * _ROWS_PER_W * _M
    copies = []
    for c in range(_NCHUNK):
        dst = out_hbm.at[pl.ds(base + c * _CHUNK_WORDS, _CHUNK_WORDS)]
        copies.append(pltpu.async_copy(zbuf, dst, sem))
    for cp in copies:
        cp.wait()


@functools.partial(
    pl.kernel,
    mesh=_mesh,
    out_type=(),
    scratch_types=[
        pltpu.VMEM((_ROWS_PER_W,), jnp.int32),
        pltpu.VMEM((_ROWS_PER_W,), jnp.int32),
        pltpu.VMEM((_ROWS_PER_W,), jnp.float32),
        pltpu.SemaphoreType.DMA,
    ],
)
def _sc_scatter(idx_hbm, out_hbm, idx_v, pos_v, ones_v, sem):
    wid = lax.axis_index("s") * 2 + lax.axis_index("c")
    base_row = wid * _ROWS_PER_W
    pltpu.sync_copy(idx_hbm.at[pl.ds(base_row, _ROWS_PER_W)], idx_v)

    def mk(c, carry):
        sl = pl.ds(c * 16, 16)
        rows = base_row + c * 16 + lax.iota(jnp.int32, 16)
        pos_v[sl] = rows * _M + idx_v[sl]
        ones_v[sl] = jnp.ones((16,), jnp.float32)
        return carry

    lax.fori_loop(0, _ROWS_PER_W // 16, mk, 0)
    pltpu.async_copy(ones_v, out_hbm.at[pos_v], sem).wait()


def kernel(logits, codebook):
    del codebook
    buf = jax.new_ref(pl.empty((_B * _M,), jnp.float32))
    _sc_fill(buf)
    idx = _tc_argmax(logits).reshape(_B)
    _sc_scatter(idx, buf)
    return jax.freeze(buf).reshape(_B, _M)

# --- scband reference (transcript-rebuilt; emitter-appended) ---
"""Pipeline reference for scband-vqcodebook-45475113730189 (READ-ONLY COPY).

The authoritative reference and input builder live on the scoring server;
editing this copy changes nothing except your own understanding.
"""

import jax, jax.numpy as jnp
import numpy as np

B = 4096
M = 8192

def setup_inputs(seed: int = 0) -> dict:
    key = jax.random.key(seed)
    k1 = jax.random.fold_in(key, 1)
    logits = jax.random.normal(k1, (B, M), dtype=jnp.float32)
    # Fixed codebook buffer: identity matrix I_M (each code is a one-hot vector)
    codebook = jnp.eye(M, dtype=jnp.float32)
    return {"logits": logits, "codebook": codebook}

def reference(logits, codebook):
    # Default (non-gumbel) path of VQCodebook.forward:
    #   indices = argmax(logits, dim=-1)
    #   one_hot = F.one_hot(indices, num_classes=M).float()
    indices = jnp.argmax(logits, axis=-1)
    one_hot = jax.nn.one_hot(indices, codebook.shape[0], dtype=jnp.float32)
    return one_hot

if __name__ == "__main__":
    import jax
    _d = setup_inputs()
    print(jax.jit(kernel)(*tuple(_d.values())))

</pallas_src>

<mosaic_0001>
#map = affine_map<(d0, d1) -> (0)>
module attributes {stable_mosaic.version = 14 : i64} {
  func.func @new_body(%arg0: i32, %arg1: i32, %arg2: memref<33554432xf32, #tpu.memory_space<hbm>>, %arg3: memref<33554432xf32, #tpu.memory_space<hbm>>, %arg4: memref<65536xf32, #tpu.memory_space<vmem>>, %arg5: memref<!tpu.dma_semaphore, #tpu.memory_space<semaphore_mem>>) attributes {dimension_semantics = [#tpu.dimension_semantics<core_parallel>, #tpu.dimension_semantics<subcore_parallel>], iteration_bounds = array<i64: 2, 16>, scalar_prefetch = 0 : i64, scratch_operands = 2 : i64, tpu.core_type = #tpu.core_type<sc_vector_subcore>, window_params = [{transform_indices = #map}, {transform_indices = #map}]} {
    %scan3A = arith.constant 0 : i32
    %scan3A_0 = arith.constant 0 : i32
    %scan3A_1 = arith.constant 4096 : i32
    %scan3A_2 = arith.addi %scan3A_0, %scan3A_1 : i32
    %scan3A_3 = arith.constant 1 : i32
    scf.for %scan3A_104 = %scan3A_0 to %scan3A_2 step %scan3A_3  : i32 {
      %broadcast_in_dim3A = arith.constant 0.000000e+00 : f32
      %broadcast_in_dim3A_105 = vector.broadcast %broadcast_in_dim3A : f32 to vector<16xf32>
      %mul3A_106 = arith.constant 16 : i32
      %mul3A_107 = arith.muli %scan3A_104, %mul3A_106 : i32
      %swap3A = arith.index_cast %mul3A_107 : i32 to index
      %swap3A_108 = tpu.vector_load %arg4[%swap3A] {strides = array<i32>} : memref<65536xf32, #tpu.memory_space<vmem>>, vector<16xf32>,
      %swap3A_109 = vector.shape_cast %swap3A_108 : vector<16xf32> to vector<16xf32>
      %swap3A_110 = vector.shape_cast %broadcast_in_dim3A_105 : vector<16xf32> to vector<16xf32>
      tpu.vector_store %arg4[%swap3A], %swap3A_110 {strides = array<i32>} : memref<65536xf32, #tpu.memory_space<vmem>>, vector<16xf32>,
    }
    %scan3A_4 = arith.constant 4096 : i32
    %mul3A = arith.constant 2 : i32
    %mul3A_5 = arith.muli %arg1, %mul3A : i32
    %add3A = arith.addi %mul3A_5, %arg0 : i32
    %mul3A_6 = arith.constant 128 : i32
    %mul3A_7 = arith.muli %add3A, %mul3A_6 : i32
    %mul3A_8 = arith.constant 8192 : i32
    %mul3A_9 = arith.muli %mul3A_7, %mul3A_8 : i32
    %add3A_10 = arith.constant 0 : i32
    %add3A_11 = arith.addi %mul3A_9, %add3A_10 : i32
    %dma_start3A = tpu.memref_slice %arg2[%add3A_11] : memref<33554432xf32, #tpu.memory_space<hbm>> -> memref<65536xf32, #tpu.memory_space<hbm>>
    %dma_start3A_12 = tpu.memref_slice %arg2[%add3A_11] : memref<33554432xf32, #tpu.memory_space<hbm>> -> memref<65536xf32, #tpu.memory_space<hbm>>
    tpu.enqueue_dma source(%arg4 : memref<65536xf32, #tpu.memory_space<vmem>>) target(%dma_start3A_12 : memref<65536xf32, #tpu.memory_space<hbm>>) target_semaphore(%arg5 : memref<!tpu.dma_semaphore, #tpu.memory_space<semaphore_mem>>)
    %add3A_13 = arith.constant 65536 : i32
    %add3A_14 = arith.addi %mul3A_9, %add3A_13 : i32
    %dma_start3A_15 = tpu.memref_slice %arg2[%add3A_14] : memref<33554432xf32, #tpu.memory_space<hbm>> -> memref<65536xf32, #tpu.memory_space<hbm>>
    %dma_start3A_16 = tpu.memref_slice %arg2[%add3A_14] : memref<33554432xf32, #tpu.memory_space<hbm>> -> memref<65536xf32, #tpu.memory_space<hbm>>
    tpu.enqueue_dma source(%arg4 : memref<65536xf32, #tpu.memory_space<vmem>>) target(%dma_start3A_16 : memref<65536xf32, #tpu.memory_space<hbm>>) target_semaphore(%arg5 : memref<!tpu.dma_semaphore, #tpu.memory_space<semaphore_mem>>)
    %add3A_17 = arith.constant 131072 : i32
    %add3A_18 = arith.addi %mul3A_9, %add3A_17 : i32
    %dma_start3A_19 = tpu.memref_slice %arg2[%add3A_18] : memref<33554432xf32, #tpu.memory_space<hbm>> -> memref<65536xf32, #tpu.memory_space<hbm>>
    %dma_start3A_20 = tpu.memref_slice %arg2[%add3A_18] : memref<33554432xf32, #tpu.memory_space<hbm>> -> memref<65536xf32, #tpu.memory_space<hbm>>
    tpu.enqueue_dma source(%arg4 : memref<65536xf32, #tpu.memory_space<vmem>>) target(%dma_start3A_20 : memref<65536xf32, #tpu.memory_space<hbm>>) target_semaphore(%arg5 : memref<!tpu.dma_semaphore, #tpu.memory_space<semaphore_mem>>)
    %add3A_21 = arith.constant 196608 : i32
    %add3A_22 = arith.addi %mul3A_9, %add3A_21 : i32
    %dma_start3A_23 = tpu.memref_slice %arg2[%add3A_22] : memref<33554432xf32, #tpu.memory_space<hbm>> -> memref<65536xf32, #tpu.memory_space<hbm>>
    %dma_start3A_24 = tpu.memref_slice %arg2[%add3A_22] : memref<33554432xf32, #tpu.memory_space<hbm>> -> memref<65536xf32, #tpu.memory_space<hbm>>
    tpu.enqueue_dma source(%arg4 : memref<65536xf32, #tpu.memory_space<vmem>>) target(%dma_start3A_24 : memref<65536xf32, #tpu.memory_space<hbm>>) target_semaphore(%arg5 : memref<!tpu.dma_semaphore, #tpu.memory_space<semaphore_mem>>)
    %add3A_25 = arith.constant 262144 : i32
    %add3A_26 = arith.addi %mul3A_9, %add3A_25 : i32
    %dma_start3A_27 = tpu.memref_slice %arg2[%add3A_26] : memref<33554432xf32, #tpu.memory_space<hbm>> -> memref<65536xf32, #tpu.memory_space<hbm>>
    %dma_start3A_28 = tpu.memref_slice %arg2[%add3A_26] : memref<33554432xf32, #tpu.memory_space<hbm>> -> memref<65536xf32, #tpu.memory_space<hbm>>
    tpu.enqueue_dma source(%arg4 : memref<65536xf32, #tpu.memory_space<vmem>>) target(%dma_start3A_28 : memref<65536xf32, #tpu.memory_space<hbm>>) target_semaphore(%arg5 : memref<!tpu.dma_semaphore, #tpu.memory_space<semaphore_mem>>)
    %add3A_29 = arith.constant 327680 : i32
    %add3A_30 = arith.addi %mul3A_9, %add3A_29 : i32
    %dma_start3A_31 = tpu.memref_slice %arg2[%add3A_30] : memref<33554432xf32, #tpu.memory_space<hbm>> -> memref<65536xf32, #tpu.memory_space<hbm>>
    %dma_start3A_32 = tpu.memref_slice %arg2[%add3A_30] : memref<33554432xf32, #tpu.memory_space<hbm>> -> memref<65536xf32, #tpu.memory_space<hbm>>
    tpu.enqueue_dma source(%arg4 : memref<65536xf32, #tpu.memory_space<vmem>>) target(%dma_start3A_32 : memref<65536xf32, #tpu.memory_space<hbm>>) target_semaphore(%arg5 : memref<!tpu.dma_semaphore, #tpu.memory_space<semaphore_mem>>)
    %add3A_33 = arith.constant 393216 : i32
    %add3A_34 = arith.addi %mul3A_9, %add3A_33 : i32
    %dma_start3A_35 = tpu.memref_slice %arg2[%add3A_34] : memref<33554432xf32, #tpu.memory_space<hbm>> -> memref<65536xf32, #tpu.memory_space<hbm>>
    %dma_start3A_36 = tpu.memref_slice %arg2[%add3A_34] : memref<33554432xf32, #tpu.memory_space<hbm>> -> memref<65536xf32, #tpu.memory_space<hbm>>
    tpu.enqueue_dma source(%arg4 : memref<65536xf32, #tpu.memory_space<vmem>>) target(%dma_start3A_36 : memref<65536xf32, #tpu.memory_space<hbm>>) target_semaphore(%arg5 : memref<!tpu.dma_semaphore, #tpu.memory_space<semaphore_mem>>)
    %add3A_37 = arith.constant 458752 : i32
    %add3A_38 = arith.addi %mul3A_9, %add3A_37 : i32
    %dma_start3A_39 = tpu.memref_slice %arg2[%add3A_38] : memref<33554432xf32, #tpu.memory_space<hbm>> -> memref<65536xf32, #tpu.memory_space<hbm>>
    %dma_start3A_40 = tpu.memref_slice %arg2[%add3A_38] : memref<33554432xf32, #tpu.memory_space<hbm>> -> memref<65536xf32, #tpu.memory_space<hbm>>
    tpu.enqueue_dma source(%arg4 : memref<65536xf32, #tpu.memory_space<vmem>>) target(%dma_start3A_40 : memref<65536xf32, #tpu.memory_space<hbm>>) target_semaphore(%arg5 : memref<!tpu.dma_semaphore, #tpu.memory_space<semaphore_mem>>)
    %add3A_41 = arith.constant 524288 : i32
    %add3A_42 = arith.addi %mul3A_9, %add3A_41 : i32
    %dma_start3A_43 = tpu.memref_slice %arg2[%add3A_42] : memref<33554432xf32, #tpu.memory_space<hbm>> -> memref<65536xf32, #tpu.memory_space<hbm>>
    %dma_start3A_44 = tpu.memref_slice %arg2[%add3A_42] : memref<33554432xf32, #tpu.memory_space<hbm>> -> memref<65536xf32, #tpu.memory_space<hbm>>
    tpu.enqueue_dma source(%arg4 : memref<65536xf32, #tpu.memory_space<vmem>>) target(%dma_start3A_44 : memref<65536xf32, #tpu.memory_space<hbm>>) target_semaphore(%arg5 : memref<!tpu.dma_semaphore, #tpu.memory_space<semaphore_mem>>)
    %add3A_45 = arith.constant 589824 : i32
    %add3A_46 = arith.addi %mul3A_9, %add3A_45 : i32
    %dma_start3A_47 = tpu.memref_slice %arg2[%add3A_46] : memref<33554432xf32, #tpu.memory_space<hbm>> -> memref<65536xf32, #tpu.memory_space<hbm>>
    %dma_start3A_48 = tpu.memref_slice %arg2[%add3A_46] : memref<33554432xf32, #tpu.memory_space<hbm>> -> memref<65536xf32, #tpu.memory_space<hbm>>
    tpu.enqueue_dma source(%arg4 : memref<65536xf32, #tpu.memory_space<vmem>>) target(%dma_start3A_48 : memref<65536xf32, #tpu.memory_space<hbm>>) target_semaphore(%arg5 : memref<!tpu.dma_semaphore, #tpu.memory_space<semaphore_mem>>)
    %add3A_49 = arith.constant 655360 : i32
    %add3A_50 = arith.addi %mul3A_9, %add3A_49 : i32
    %dma_start3A_51 = tpu.memref_slice %arg2[%add3A_50] : memref<33554432xf32, #tpu.memory_space<hbm>> -> memref<65536xf32, #tpu.memory_space<hbm>>
    %dma_start3A_52 = tpu.memref_slice %arg2[%add3A_50] : memref<33554432xf32, #tpu.memory_space<hbm>> -> memref<65536xf32, #tpu.memory_space<hbm>>
    tpu.enqueue_dma source(%arg4 : memref<65536xf32, #tpu.memory_space<vmem>>) target(%dma_start3A_52 : memref<65536xf32, #tpu.memory_space<hbm>>) target_semaphore(%arg5 : memref<!tpu.dma_semaphore, #tpu.memory_space<semaphore_mem>>)
    %add3A_53 = arith.constant 720896 : i32
    %add3A_54 = arith.addi %mul3A_9, %add3A_53 : i32
    %dma_start3A_55 = tpu.memref_slice %arg2[%add3A_54] : memref<33554432xf32, #tpu.memory_space<hbm>> -> memref<65536xf32, #tpu.memory_space<hbm>>
    %dma_start3A_56 = tpu.memref_slice %arg2[%add3A_54] : memref<33554432xf32, #tpu.memory_space<hbm>> -> memref<65536xf32, #tpu.memory_space<hbm>>
    tpu.enqueue_dma source(%arg4 : memref<65536xf32, #tpu.memory_space<vmem>>) target(%dma_start3A_56 : memref<65536xf32, #tpu.memory_space<hbm>>) target_semaphore(%arg5 : memref<!tpu.dma_semaphore, #tpu.memory_space<semaphore_mem>>)
    %add3A_57 = arith.constant 786432 : i32
    %add3A_58 = arith.addi %mul3A_9, %add3A_57 : i32
    %dma_start3A_59 = tpu.memref_slice %arg2[%add3A_58] : memref<33554432xf32, #tpu.memory_space<hbm>> -> memref<65536xf32, #tpu.memory_space<hbm>>
    %dma_start3A_60 = tpu.memref_slice %arg2[%add3A_58] : memref<33554432xf32, #tpu.memory_space<hbm>> -> memref<65536xf32, #tpu.memory_space<hbm>>
    tpu.enqueue_dma source(%arg4 : memref<65536xf32, #tpu.memory_space<vmem>>) target(%dma_start3A_60 : memref<65536xf32, #tpu.memory_space<hbm>>) target_semaphore(%arg5 : memref<!tpu.dma_semaphore, #tpu.memory_space<semaphore_mem>>)
    %add3A_61 = arith.constant 851968 : i32
    %add3A_62 = arith.addi %mul3A_9, %add3A_61 : i32
    %dma_start3A_63 = tpu.memref_slice %arg2[%add3A_62] : memref<33554432xf32, #tpu.memory_space<hbm>> -> memref<65536xf32, #tpu.memory_space<hbm>>
    %dma_start3A_64 = tpu.memref_slice %arg2[%add3A_62] : memref<33554432xf32, #tpu.memory_space<hbm>> -> memref<65536xf32, #tpu.memory_space<hbm>>
    tpu.enqueue_dma source(%arg4 : memref<65536xf32, #tpu.memory_space<vmem>>) target(%dma_start3A_64 : memref<65536xf32, #tpu.memory_space<hbm>>) target_semaphore(%arg5 : memref<!tpu.dma_semaphore, #tpu.memory_space<semaphore_mem>>)
    %add3A_65 = arith.constant 917504 : i32
    %add3A_66 = arith.addi %mul3A_9, %add3A_65 : i32
    %dma_start3A_67 = tpu.memref_slice %arg2[%add3A_66] : memref<33554432xf32, #tpu.memory_space<hbm>> -> memref<65536xf32, #tpu.memory_space<hbm>>
    %dma_start3A_68 = tpu.memref_slice %arg2[%add3A_66] : memref<33554432xf32, #tpu.memory_space<hbm>> -> memref<65536xf32, #tpu.memory_space<hbm>>
    tpu.enqueue_dma source(%arg4 : memref<65536xf32, #tpu.memory_space<vmem>>) target(%dma_start3A_68 : memref<65536xf32, #tpu.memory_space<hbm>>) target_semaphore(%arg5 : memref<!tpu.dma_semaphore, #tpu.memory_space<semaphore_mem>>)
    %add3A_69 = arith.constant 983040 : i32
    %add3A_70 = arith.addi %mul3A_9, %add3A_69 : i32
    %dma_start3A_71 = tpu.memref_slice %arg2[%add3A_70] : memref<33554432xf32, #tpu.memory_space<hbm>> -> memref<65536xf32, #tpu.memory_space<hbm>>
    %dma_start3A_72 = tpu.memref_slice %arg2[%add3A_70] : memref<33554432xf32, #tpu.memory_space<hbm>> -> memref<65536xf32, #tpu.memory_space<hbm>>
    tpu.enqueue_dma source(%arg4 : memref<65536xf32, #tpu.memory_space<vmem>>) target(%dma_start3A_72 : memref<65536xf32, #tpu.memory_space<hbm>>) target_semaphore(%arg5 : memref<!tpu.dma_semaphore, #tpu.memory_space<semaphore_mem>>)
    %dma_wait3A = tpu.memref_slice %arg2[%add3A_11] : memref<33554432xf32, #tpu.memory_space<hbm>> -> memref<65536xf32, #tpu.memory_space<hbm>>
    %dma_wait3A_73 = tpu.memref_slice %arg2[%add3A_11] : memref<33554432xf32, #tpu.memory_space<hbm>> -> memref<65536xf32, #tpu.memory_space<hbm>>
    tpu.wait_dma2 semaphore(%arg5 : memref<!tpu.dma_semaphore, #tpu.memory_space<semaphore_mem>>) src(%arg4 : memref<65536xf32, #tpu.memory_space<vmem>>) dst(%dma_wait3A_73 : memref<65536xf32, #tpu.memory_space<hbm>>)
    %dma_wait3A_74 = tpu.memref_slice %arg2[%add3A_14] : memref<33554432xf32, #tpu.memory_space<hbm>> -> memref<65536xf32, #tpu.memory_space<hbm>>
    %dma_wait3A_75 = tpu.memref_slice %arg2[%add3A_14] : memref<33554432xf32, #tpu.memory_space<hbm>> -> memref<65536xf32, #tpu.memory_space<hbm>>
    tpu.wait_dma2 semaphore(%arg5 : memref<!tpu.dma_semaphore, #tpu.memory_space<semaphore_mem>>) src(%arg4 : memref<65536xf32, #tpu.memory_space<vmem>>) dst(%dma_wait3A_75 : memref<65536xf32, #tpu.memory_space<hbm>>)
    %dma_wait3A_76 = tpu.memref_slice %arg2[%add3A_18] : memref<33554432xf32, #tpu.memory_space<hbm>> -> memref<65536xf32, #tpu.memory_space<hbm>>
    %dma_wait3A_77 = tpu.memref_slice %arg2[%add3A_18] : memref<33554432xf32, #tpu.memory_space<hbm>> -> memref<65536xf32, #tpu.memory_space<hbm>>
    tpu.wait_dma2 semaphore(%arg5 : memref<!tpu.dma_semaphore, #tpu.memory_space<semaphore_mem>>) src(%arg4 : memref<65536xf32, #tpu.memory_space<vmem>>) dst(%dma_wait3A_77 : memref<65536xf32, #tpu.memory_space<hbm>>)
    %dma_wait3A_78 = tpu.memref_slice %arg2[%add3A_22] : memref<33554432xf32, #tpu.memory_space<hbm>> -> memref<65536xf32, #tpu.memory_space<hbm>>
    %dma_wait3A_79 = tpu.memref_slice %arg2[%add3A_22] : memref<33554432xf32, #tpu.memory_space<hbm>> -> memref<65536xf32, #tpu.memory_space<hbm>>
    tpu.wait_dma2 semaphore(%arg5 : memref<!tpu.dma_semaphore, #tpu.memory_space<semaphore_mem>>) src(%arg4 : memref<65536xf32, #tpu.memory_space<vmem>>) dst(%dma_wait3A_79 : memref<65536xf32, #tpu.memory_space<hbm>>)
    %dma_wait3A_80 = tpu.memref_slice %arg2[%add3A_26] : memref<33554432xf32, #tpu.memory_space<hbm>> -> memref<65536xf32, #tpu.memory_space<hbm>>
    %dma_wait3A_81 = tpu.memref_slice %arg2[%add3A_26] : memref<33554432xf32, #tpu.memory_space<hbm>> -> memref<65536xf32, #tpu.memory_space<hbm>>
    tpu.wait_dma2 semaphore(%arg5 : memref<!tpu.dma_semaphore, #tpu.memory_space<semaphore_mem>>) src(%arg4 : memref<65536xf32, #tpu.memory_space<vmem>>) dst(%dma_wait3A_81 : memref<65536xf32, #tpu.memory_space<hbm>>)
    %dma_wait3A_82 = tpu.memref_slice %arg2[%add3A_30] : memref<33554432xf32, #tpu.memory_space<hbm>> -> memref<65536xf32, #tpu.memory_space<hbm>>
    %dma_wait3A_83 = tpu.memref_slice %arg2[%add3A_30] : memref<33554432xf32, #tpu.memory_space<hbm>> -> memref<65536xf32, #tpu.memory_space<hbm>>
    tpu.wait_dma2 semaphore(%arg5 : memref<!tpu.dma_semaphore, #tpu.memory_space<semaphore_mem>>) src(%arg4 : memref<65536xf32, #tpu.memory_space<vmem>>) dst(%dma_wait3A_83 : memref<65536xf32, #tpu.memory_space<hbm>>)
    %dma_wait3A_84 = tpu.memref_slice %arg2[%add3A_34] : memref<33554432xf32, #tpu.memory_space<hbm>> -> memref<65536xf32, #tpu.memory_space<hbm>>
    %dma_wait3A_85 = tpu.memref_slice %arg2[%add3A_34] : memref<33554432xf32, #tpu.memory_space<hbm>> -> memref<65536xf32, #tpu.memory_space<hbm>>
    tpu.wait_dma2 semaphore(%arg5 : memref<!tpu.dma_semaphore, #tpu.memory_space<semaphore_mem>>) src(%arg4 : memref<65536xf32, #tpu.memory_space<vmem>>) dst(%dma_wait3A_85 : memref<65536xf32, #tpu.memory_space<hbm>>)
    %dma_wait3A_86 = tpu.memref_slice %arg2[%add3A_38] : memref<33554432xf32, #tpu.memory_space<hbm>> -> memref<65536xf32, #tpu.memory_space<hbm>>
    %dma_wait3A_87 = tpu.memref_slice %arg2[%add3A_38] : memref<33554432xf32, #tpu.memory_space<hbm>> -> memref<65536xf32, #tpu.memory_space<hbm>>
    tpu.wait_dma2 semaphore(%arg5 : memref<!tpu.dma_semaphore, #tpu.memory_space<semaphore_mem>>) src(%arg4 : memref<65536xf32, #tpu.memory_space<vmem>>) dst(%dma_wait3A_87 : memref<65536xf32, #tpu.memory_space<hbm>>)
    %dma_wait3A_88 = tpu.memref_slice %arg2[%add3A_42] : memref<33554432xf32, #tpu.memory_space<hbm>> -> memref<65536xf32, #tpu.memory_space<hbm>>
    %dma_wait3A_89 = tpu.memref_slice %arg2[%add3A_42] : memref<33554432xf32, #tpu.memory_space<hbm>> -> memref<65536xf32, #tpu.memory_space<hbm>>
    tpu.wait_dma2 semaphore(%arg5 : memref<!tpu.dma_semaphore, #tpu.memory_space<semaphore_mem>>) src(%arg4 : memref<65536xf32, #tpu.memory_space<vmem>>) dst(%dma_wait3A_89 : memref<65536xf32, #tpu.memory_space<hbm>>)
    %dma_wait3A_90 = tpu.memref_slice %arg2[%add3A_46] : memref<33554432xf32, #tpu.memory_space<hbm>> -> memref<65536xf32, #tpu.memory_space<hbm>>
    %dma_wait3A_91 = tpu.memref_slice %arg2[%add3A_46] : memref<33554432xf32, #tpu.memory_space<hbm>> -> memref<65536xf32, #tpu.memory_space<hbm>>
    tpu.wait_dma2 semaphore(%arg5 : memref<!tpu.dma_semaphore, #tpu.memory_space<semaphore_mem>>) src(%arg4 : memref<65536xf32, #tpu.memory_space<vmem>>) dst(%dma_wait3A_91 : memref<65536xf32, #tpu.memory_space<hbm>>)
    %dma_wait3A_92 = tpu.memref_slice %arg2[%add3A_50] : memref<33554432xf32, #tpu.memory_space<hbm>> -> memref<65536xf32, #tpu.memory_space<hbm>>
    %dma_wait3A_93 = tpu.memref_slice %arg2[%add3A_50] : memref<33554432xf32, #tpu.memory_space<hbm>> -> memref<65536xf32, #tpu.memory_space<hbm>>
    tpu.wait_dma2 semaphore(%arg5 : memref<!tpu.dma_semaphore, #tpu.memory_space<semaphore_mem>>) src(%arg4 : memref<65536xf32, #tpu.memory_space<vmem>>) dst(%dma_wait3A_93 : memref<65536xf32, #tpu.memory_space<hbm>>)
    %dma_wait3A_94 = tpu.memref_slice %arg2[%add3A_54] : memref<33554432xf32, #tpu.memory_space<hbm>> -> memref<65536xf32, #tpu.memory_space<hbm>>
    %dma_wait3A_95 = tpu.memref_slice %arg2[%add3A_54] : memref<33554432xf32, #tpu.memory_space<hbm>> -> memref<65536xf32, #tpu.memory_space<hbm>>
    tpu.wait_dma2 semaphore(%arg5 : memref<!tpu.dma_semaphore, #tpu.memory_space<semaphore_mem>>) src(%arg4 : memref<65536xf32, #tpu.memory_space<vmem>>) dst(%dma_wait3A_95 : memref<65536xf32, #tpu.memory_space<hbm>>)
    %dma_wait3A_96 = tpu.memref_slice %arg2[%add3A_58] : memref<33554432xf32, #tpu.memory_space<hbm>> -> memref<65536xf32, #tpu.memory_space<hbm>>
    %dma_wait3A_97 = tpu.memref_slice %arg2[%add3A_58] : memref<33554432xf32, #tpu.memory_space<hbm>> -> memref<65536xf32, #tpu.memory_space<hbm>>
    tpu.wait_dma2 semaphore(%arg5 : memref<!tpu.dma_semaphore, #tpu.memory_space<semaphore_mem>>) src(%arg4 : memref<65536xf32, #tpu.memory_space<vmem>>) dst(%dma_wait3A_97 : memref<65536xf32, #tpu.memory_space<hbm>>)
    %dma_wait3A_98 = tpu.memref_slice %arg2[%add3A_62] : memref<33554432xf32, #tpu.memory_space<hbm>> -> memref<65536xf32, #tpu.memory_space<hbm>>
    %dma_wait3A_99 = tpu.memref_slice %arg2[%add3A_62] : memref<33554432xf32, #tpu.memory_space<hbm>> -> memref<65536xf32, #tpu.memory_space<hbm>>
    tpu.wait_dma2 semaphore(%arg5 : memref<!tpu.dma_semaphore, #tpu.memory_space<semaphore_mem>>) src(%arg4 : memref<65536xf32, #tpu.memory_space<vmem>>) dst(%dma_wait3A_99 : memref<65536xf32, #tpu.memory_space<hbm>>)
    %dma_wait3A_100 = tpu.memref_slice %arg2[%add3A_66] : memref<33554432xf32, #tpu.memory_space<hbm>> -> memref<65536xf32, #tpu.memory_space<hbm>>
    %dma_wait3A_101 = tpu.memref_slice %arg2[%add3A_66] : memref<33554432xf32, #tpu.memory_space<hbm>> -> memref<65536xf32, #tpu.memory_space<hbm>>
    tpu.wait_dma2 semaphore(%arg5 : memref<!tpu.dma_semaphore, #tpu.memory_space<semaphore_mem>>) src(%arg4 : memref<65536xf32, #tpu.memory_space<vmem>>) dst(%dma_wait3A_101 : memref<65536xf32, #tpu.memory_space<hbm>>)
    %dma_wait3A_102 = tpu.memref_slice %arg2[%add3A_70] : memref<33554432xf32, #tpu.memory_space<hbm>> -> memref<65536xf32, #tpu.memory_space<hbm>>
    %dma_wait3A_103 = tpu.memref_slice %arg2[%add3A_70] : memref<33554432xf32, #tpu.memory_space<hbm>> -> memref<65536xf32, #tpu.memory_space<hbm>>
    tpu.wait_dma2 semaphore(%arg5 : memref<!tpu.dma_semaphore, #tpu.memory_space<semaphore_mem>>) src(%arg4 : memref<65536xf32, #tpu.memory_space<vmem>>) dst(%dma_wait3A_103 : memref<65536xf32, #tpu.memory_space<hbm>>)
    return
  }
}

#map = affine_map<(d0, d1) -> (0)>
module attributes {stable_mosaic.version = 14 : i64} {
  func.func @new_body(%arg0: i32, %arg1: i32, %arg2: memref<4096xi32, #tpu.memory_space<hbm>>, %arg3: memref<33554432xf32, #tpu.memory_space<hbm>>, %arg4: memref<33554432xf32, #tpu.memory_space<hbm>>, %arg5: memref<128xi32, #tpu.memory_space<vmem>>, %arg6: memref<128xi32, #tpu.memory_space<vmem>>, %arg7: memref<128xf32, #tpu.memory_space<vmem>>, %arg8: memref<!tpu.dma_semaphore, #tpu.memory_space<semaphore_mem>>) attributes {dimension_semantics = [#tpu.dimension_semantics<core_parallel>, #tpu.dimension_semantics<subcore_parallel>], iteration_bounds = array<i64: 2, 16>, scalar_prefetch = 0 : i64, scratch_operands = 4 : i64, tpu.core_type = #tpu.core_type<sc_vector_subcore>, window_params = [{transform_indices = #map}, {transform_indices = #map}, {transform_indices = #map}]} {
    %mul3A = arith.constant 2 : i32
    %mul3A_0 = arith.muli %arg1, %mul3A : i32
    %add3A = arith.addi %mul3A_0, %arg0 : i32
    %mul3A_1 = arith.constant 128 : i32
    %mul3A_2 = arith.muli %add3A, %mul3A_1 : i32
    "tpu.region"() ({
      %run_scoped3A = tpu.sem_alloc : memref<!tpu.dma_semaphore, #tpu.memory_space<semaphore_mem>>
      %dma_start3A_10 = tpu.memref_slice %arg2[%mul3A_2] : memref<4096xi32, #tpu.memory_space<hbm>> -> memref<128xi32, #tpu.memory_space<hbm>>
      %dma_start3A_11 = tpu.memref_slice %arg2[%mul3A_2] : memref<4096xi32, #tpu.memory_space<hbm>> -> memref<128xi32, #tpu.memory_space<hbm>>
      tpu.enqueue_dma source(%dma_start3A_11 : memref<128xi32, #tpu.memory_space<hbm>>) target(%arg5 : memref<128xi32, #tpu.memory_space<vmem>>) target_semaphore(%run_scoped3A : memref<!tpu.dma_semaphore, #tpu.memory_space<semaphore_mem>>)
      %dma_wait3A_12 = tpu.memref_slice %arg2[%mul3A_2] : memref<4096xi32, #tpu.memory_space<hbm>> -> memref<128xi32, #tpu.memory_space<hbm>>
      %dma_wait3A_13 = tpu.memref_slice %arg2[%mul3A_2] : memref<4096xi32, #tpu.memory_space<hbm>> -> memref<128xi32, #tpu.memory_space<hbm>>
      tpu.wait_dma2 semaphore(%run_scoped3A : memref<!tpu.dma_semaphore, #tpu.memory_space<semaphore_mem>>) src(%dma_wait3A_13 : memref<128xi32, #tpu.memory_space<hbm>>) dst(%arg5 : memref<128xi32, #tpu.memory_space<vmem>>)
      tpu.yield
    }) : () -> ()
    %scan3A = arith.constant 0 : i32
    %scan3A_3 = arith.constant 0 : i32
    %scan3A_4 = arith.constant 8 : i32
    %scan3A_5 = arith.addi %scan3A_3, %scan3A_4 : i32
    %scan3A_6 = arith.constant 1 : i32
    scf.for %scan3A_10 = %scan3A_3 to %scan3A_5 step %scan3A_6  : i32 {
      %mul3A_11 = arith.constant 16 : i32
      %mul3A_12 = arith.muli %scan3A_10, %mul3A_11 : i32
      %mul3A_13 = arith.constant 16 : i32
      %mul3A_14 = arith.muli %scan3A_10, %mul3A_13 : i32
      %add3A_15 = arith.addi %mul3A_2, %mul3A_14 : i32
      %iota3A = tpu.iota {dimensions = array<i32: 0>} : vector<16xi32>
      %add3A_16 = vector.broadcast %add3A_15 : i32 to vector<16xi32>
      %add3A_17 = arith.addi %add3A_16, %iota3A : vector<16xi32>
      %mul3A_18 = arith.constant 8192 : i32
      %mul3A_19 = vector.broadcast %mul3A_18 : i32 to vector<16xi32>
      %mul3A_20 = arith.muli %add3A_17, %mul3A_19 : vector<16xi32>
      %get3A = arith.index_cast %mul3A_12 : i32 to index
      %get3A_21 = tpu.vector_load %arg5[%get3A] {strides = array<i32>} : memref<128xi32, #tpu.memory_space<vmem>>, vector<16xi32>,
      %get3A_22 = vector.shape_cast %get3A_21 : vector<16xi32> to vector<16xi32>
      %add3A_23 = arith.addi %mul3A_20, %get3A_22 : vector<16xi32>
      %swap3A = arith.index_cast %mul3A_12 : i32 to index
      %swap3A_24 = tpu.vector_load %arg6[%swap3A] {strides = array<i32>} : memref<128xi32, #tpu.memory_space<vmem>>, vector<16xi32>,
      %swap3A_25 = vector.shape_cast %swap3A_24 : vector<16xi32> to vector<16xi32>
      %swap3A_26 = vector.shape_cast %add3A_23 : vector<16xi32> to vector<16xi32>
      tpu.vector_store %arg6[%swap3A], %swap3A_26 {strides = array<i32>} : memref<128xi32, #tpu.memory_space<vmem>>, vector<16xi32>,
      %broadcast_in_dim3A = arith.constant 1.000000e+00 : f32
      %broadcast_in_dim3A_27 = vector.broadcast %broadcast_in_dim3A : f32 to vector<16xf32>
      %swap3A_28 = arith.index_cast %mul3A_12 : i32 to index
      %swap3A_29 = tpu.vector_load %arg7[%swap3A_28] {strides = array<i32>} : memref<128xf32, #tpu.memory_space<vmem>>, vector<16xf32>,
      %swap3A_30 = vector.shape_cast %swap3A_29 : vector<16xf32> to vector<16xf32>
      %swap3A_31 = vector.shape_cast %broadcast_in_dim3A_27 : vector<16xf32> to vector<16xf32>
      tpu.vector_store %arg7[%swap3A_28], %swap3A_31 {strides = array<i32>} : memref<128xf32, #tpu.memory_space<vmem>>, vector<16xf32>,
    }
    %scan3A_7 = arith.constant 8 : i32
    %dma_start3A = arith.constant 0 : i32
    %dma_start3A_8 = tpu.memref_slice %arg3[%dma_start3A] : memref<33554432xf32, #tpu.memory_space<hbm>> -> memref<33554432xf32, #tpu.memory_space<hbm>>
    tpu.enqueue_indirect_dma source(%arg7 : memref<128xf32, #tpu.memory_space<vmem>>) target(%dma_start3A_8 : memref<33554432xf32, #tpu.memory_space<hbm>>) offsets(%arg6 : memref<128xi32, #tpu.memory_space<vmem>>) semaphore(%arg8 : memref<!tpu.dma_semaphore, #tpu.memory_space<semaphore_mem>>)
    %dma_wait3A = arith.constant 0 : i32
    %dma_wait3A_9 = tpu.memref_slice %arg3[%dma_wait3A] : memref<33554432xf32, #tpu.memory_space<hbm>> -> memref<33554432xf32, #tpu.memory_space<hbm>>
    tpu.wait_indirect_dma semaphore(%arg8 : memref<!tpu.dma_semaphore, #tpu.memory_space<semaphore_mem>>) src(%arg7 : memref<128xf32, #tpu.memory_space<vmem>>) dst(%dma_wait3A_9 : memref<33554432xf32, #tpu.memory_space<hbm>>)
    return
  }
}

module attributes {stable_mosaic.version = 14 : i64} {
  func.func @_argmax_body(%arg0: i32, %arg1: memref<256x8192xf32, #tpu.memory_space<vmem>>, %arg2: memref<256x1xi32, #tpu.memory_space<vmem>>) attributes {dimension_semantics = [#tpu.dimension_semantics<arbitrary>], iteration_bounds = array<i64: 16>, scalar_prefetch = 0 : i64, scratch_operands = 0 : i64, tpu.core_type = #tpu.core_type<tc>, window_params = [{transform_indices = @transform_0, window_bounds = array<i64: 256, 8192>}, {transform_indices = @transform_1, window_bounds = array<i64: 256, 1>}]} {
    %get3A = arith.constant 0 : index
    %get3A_0 = arith.constant 0 : index
    %get3A_1 = vector.load %arg1[%get3A, %get3A_0] : memref<256x8192xf32, #tpu.memory_space<vmem>>, vector<256x8192xf32>
    %reduce_max3A = arith.constant dense<0xFF800000> : vector<256xf32>
    %reduce_max3A_2 = vector.multi_reduction <maximumf>, %get3A_1, %reduce_max3A [1] : vector<256x8192xf32> to vector<256xf32>
    %broadcast_in_dim3A = vector.shape_cast %reduce_max3A_2 : vector<256xf32> to vector<256x1xf32>
    %iota3A = tpu.iota {dimensions = array<i32: 1>} : vector<256x8192xi32>
    %eq3A = vector.broadcast %broadcast_in_dim3A : vector<256x1xf32> to vector<256x8192xf32>
    %eq3A_3 = arith.cmpf oeq, %get3A_1, %eq3A : vector<256x8192xf32>
    %jit3A = arith.constant 8192 : i32
    %broadcast_in_dim3A_4 = vector.broadcast %jit3A : i32 to vector<256x8192xi32>
    %select_n3A = arith.select %eq3A_3, %iota3A, %broadcast_in_dim3A_4 : vector<256x8192xi1>, vector<256x8192xi32>
    %reduce_min3A = arith.constant dense<2147483647> : vector<256xi32>
    %reduce_min3A_5 = vector.multi_reduction <minsi>, %select_n3A, %reduce_min3A [1] : vector<256x8192xi32> to vector<256xi32>
    %broadcast_in_dim3A_6 = vector.shape_cast %reduce_min3A_5 : vector<256xi32> to vector<256x1xi32>
    %swap3A = arith.constant 0 : index
    %swap3A_7 = arith.constant 0 : index
    %swap3A_8 = vector.load %arg2[%swap3A, %swap3A_7] : memref<256x1xi32, #tpu.memory_space<vmem>>, vector<256x1xi32>
    tpu.vector_store %arg2[%swap3A, %swap3A_7], %broadcast_in_dim3A_6 {strides = array<i32>} : memref<256x1xi32, #tpu.memory_space<vmem>>, vector<256x1xi32>,
    return
  }
  func.func @transform_0(%arg0: i32) -> (i32, i32) {
    %c0_i32 = arith.constant 0 : i32
    %c0_i32_0 = arith.constant 0 : i32
    return %arg0, %c0_i32 : i32, i32
  }
  func.func @transform_1(%arg0: i32) -> (i32, i32) {
    %c0_i32 = arith.constant 0 : i32
    %c0_i32_0 = arith.constant 0 : i32
    return %arg0, %c0_i32 : i32, i32
  }
}

</mosaic_0001>

<sc_bundles>
// kernel: kernel.5.cloned.1.call-start
scs
__scs_entry_jumppad:
0x0: {  	(pc) =	sbr.rel $0x88, $3  }
0x1: {  	(tag) =	ssettag $0x0;
	lr =	simm.s32 $0x1  }
0x2: {  	[smem:$0x3FA0] =	sst lr;
	_ =	strace $0xD0000000  }
0x3: {  	_ = 	snop  }
0x4: {  	_ = 	snop  }
0x5: {  	_ = 	snop  }
0x6: {  	_ = 	snop  }
0x7: {  	_ = 	snop  }
__scs_overlays_trampoline_lowered:
0x8: {  	[smem:$0x3FAF] =	sst s0  }
0x9: {  	[smem:$0x3FB0] =	sst s1  }
0xa: {  	[smem:$0x3FB1] =	sst s2  }
0xb: {  	[smem:$0x3FB2] =	sst s3  }
0xc: {  	[smem:$0x3FB3] =	sst s4  }
0xd: {  	[smem:$0x3FB4] =	sst s5  }
0xe: {  	[smem:$0x3FB5] =	sst s6  }
0xf: {  	[smem:$0x3FB6] =	sst s7  }
0x10: {  	[smem:$0x3FB7] =	sst s8  }
0x11: {  	[smem:$0x3FB8] =	sst s9;
	s0 =	simm.s32 @!p0 $0x0  }
0x12: {  	s1 =	sld [smem:$0x3F9E];
	s0 =	simm.s32 @p0 $0x1  }
0x13: {  	[smem:$0x3FB9] =	sst s0;
	s0 =	simm.s32 @!p1 $0x0  }
0x14: {  	s2 =	sld [smem:$0x3F9D];
	s0 =	simm.s32 @p1 $0x1  }
0x15: {  	[smem:$0x3FBA] =	sst s0;
	s0 =	simm.s32 @!p2 $0x0  }
0x16: {  	s3 =	sld [smem:$0x3FDB];
	s0 =	simm.s32 @p2 $0x1  }
0x17: {  	s4 =	simm.s32 $0x1BF5;
	[smem:$0x3FBC] =	sst s0  }
0x18: {  	s0 =	sld [smem:$0x3F9F];
	_ =	swait.ge [sflag:s4], $0x0  }
0x19: {  	s7 =	sld [smem:$0x3FA0]  }
0x1a: {  	s8 =	sadd.s32 $0xFFFFE003, lr  }
0x1b: {  	s9 =	sadd.s32 $0xFFFFFEF7, lr;
	s5 =	simm.s32 $0xFFFFFFFF;
	p2 =	slt.u32 s8, $0xFFFFF086  }
0x1c: {  	p1 =	slt.u32 s9, $0xF7A;
	s5 =	simm.s32 @!p2 $0x0  }
0x1d: {  	s5 =	simm.s32 @p1 $0x1;
	p0 =	seq.s32 s7, s2  }
0x1e: {  	s7 =	smul.u32 @!p0 $0xF7A, s2;
	p2 =	seq.s32 @!p0 s5, $0x0  }
0x1f: {  	s9 =	smul.u32 $0xF7A, s1;
	s8 =	simm.s32 @!p0 $0x1BF5;
	p2 =	por !p2, p0  }
0x20: {  	[sflag:s8] =	ssyncset.s32 @!p0 $0xFFFFF086;
	s6 =	sadd.s32 @!p0 s3, s7;
	s7 =	simm.s32 @!p0 $0x108  }
0x21: {  	s3 =	sadd.s32 s3, s9;
	s6 =	sadd.s32 @!p0 $0x88, s6;
	s7 =	simm.s32 @p2 $0x1082  }
0x22: {  	[simem:s7], [sflag:s8] =	dma.local @!p0 [hbm:s6], $0xF7A  }
0x23: {  	s9 =	sor.u32 $0xD0000000, s2;
	s6 =	simm.s32 $0x108;
	_ =	swait.ge @!p0 [sflag:s8], $0x0  }
0x24: {  	s3 =	sadd.s32 $0x88, s3;
	s6 =	simm.s32 @!p1 $0x1082;
	[sflag:s4] =	ssyncset.s32 $0xFFFFF086  }
0x25: {  	[simem:s6], [sflag:s4] =	dma.local [hbm:s3], $0xF7A  }
0x26: {  	[smem:$0x3FA0] =	sst s1;
	(tag) =	ssettag s2;
	_ =	strace s9  }
0x27: {  	s1 =	sld [smem:$0x3FB0]  }
0x28: {  	s2 =	sld [smem:$0x3FB1]  }
0x29: {  	s4 =	sld [smem:$0x3FB3]  }
0x2a: {  	p0 =	seq.s32 s5, $0x0;
	s5 =	sld [smem:$0x3FB4]  }
0x2b: {  	s6 =	sld [smem:$0x3FB5]  }
0x2c: {  	s7 =	sld [smem:$0x3FB6]  }
0x2d: {  	s3 =	simm.s32 $0x108;
	s8 =	sld [smem:$0x3FB7]  }
0x2e: {  	s3 =	simm.s32 @!p0 $0x1082;
	s9 =	sld [smem:$0x3FB8]  }
0x2f: {  	lr =	sadd.s32 s0, s3;
	s0 =	sld [smem:$0x3FAF]  }
0x30: {  	s3 =	sld [smem:$0x3FB2]  }
0x31: {  	[smem:$0x3FBB] =	sst s10  }
0x32: {  	s10 =	sld [smem:$0x3FB9];
	_ =	sdelay $0x3  }
0x33: {  	p0 =	seq.s32 s10, $0x1;
	s10 =	sld [smem:$0x3FBB];
	_ =	sdelay $0x3  }
0x34: {  	[smem:$0x3FBB] =	sst s10  }
0x35: {  	s10 =	sld [smem:$0x3FBA];
	_ =	sdelay $0x3  }
0x36: {  	p1 =	seq.s32 s10, $0x1;
	s10 =	sld [smem:$0x3FBB];
	_ =	sdelay $0x3  }
0x37: {  	[smem:$0x3FBB] =	sst s10  }
0x38: {  	s10 =	sld [smem:$0x3FBC]  }
0x39: {  	_ = 	snop;
	(pc) =	sbr.ind lr, $3  }
0x3a: {  	_ = 	snop  }
0x3b: {  	_ = 	snop  }
0x3c: {  	p2 =	seq.s32 s10, $0x1;
	s10 =	sld [smem:$0x3FBB]  }
0x3d: {  	_ =	shalt  }
0x3e: {  	_ =	shalt  }
0x3f: {  	_ =	shalt  }
0x40: {  	_ =	shalt  }
0x41: {  	_ =	shalt  }
0x42: {  	_ =	shalt  }
0x43: {  	_ =	shalt  }
0x44: {  	_ =	shalt  }
0x45: {  	_ =	shalt  }
0x46: {  	_ =	shalt  }
0x47: {  	_ =	shalt  }
0x48: {  	_ =	shalt  }
0x49: {  	_ =	shalt  }
0x4a: {  	_ =	shalt  }
0x4b: {  	_ =	shalt  }
0x4c: {  	_ =	shalt  }
0x4d: {  	_ =	shalt  }
0x4e: {  	_ =	shalt  }
0x4f: {  	_ =	shalt  }
0x50: {  	_ =	shalt  }
0x51: {  	_ =	shalt  }
0x52: {  	_ =	shalt  }
0x53: {  	_ =	shalt  }
0x54: {  	_ =	shalt  }
0x55: {  	_ =	shalt  }
0x56: {  	_ =	shalt  }
0x57: {  	_ =	shalt  }
0x58: {  	_ =	shalt  }
0x59: {  	_ =	shalt  }
0x5a: {  	_ =	shalt  }
0x5b: {  	_ =	shalt  }
0x5c: {  	_ =	shalt  }
0x5d: {  	_ =	shalt  }
0x5e: {  	_ =	shalt  }
0x5f: {  	_ =	shalt  }
0x60: {  	_ =	shalt  }
0x61: {  	_ =	shalt  }
0x62: {  	_ =	shalt  }
0x63: {  	_ =	shalt  }
0x64: {  	_ =	shalt  }
0x65: {  	_ =	shalt  }
0x66: {  	_ =	shalt  }
0x67: {  	_ =	shalt  }
0x68: {  	_ =	shalt  }
0x69: {  	_ =	shalt  }
0x6a: {  	_ =	shalt  }
0x6b: {  	_ =	shalt  }
0x6c: {  	_ =	shalt  }
0x6d: {  	_ =	shalt  }
0x6e: {  	_ =	shalt  }
0x6f: {  	_ =	shalt  }
0x70: {  	_ =	shalt  }
0x71: {  	_ =	shalt  }
0x72: {  	_ =	shalt  }
0x73: {  	_ =	shalt  }
0x74: {  	_ =	shalt  }
0x75: {  	_ =	shalt  }
0x76: {  	_ =	shalt  }
0x77: {  	_ =	shalt  }
0x78: {  	_ =	shalt  }
0x79: {  	_ =	shalt  }
0x7a: {  	_ =	shalt  }
0x7b: {  	_ =	shalt  }
0x7c: {  	_ =	shalt  }
0x7d: {  	_ =	shalt  }
0x7e: {  	_ =	shalt  }
0x7f: {  	_ =	shalt  }
0x80: {  	_ =	shalt  }
0x81: {  	_ =	shalt  }
0x82: {  	_ =	shalt  }
0x83: {  	_ =	shalt  }
0x84: {  	_ =	shalt  }
0x85: {  	_ =	shalt  }
0x86: {  	_ =	shalt  }
0x87: {  	_ =	shalt  }
.Lfunc_end0:
.L_simem_size_0:
called_computation_lowered:
.L_overlay_start_0:
0x88: {  	s2 =	sld [smem:$0x3FD9]  }
0x89: {  	s3 =	sld [smem:$0x3FFE];
	_ =	sdelay $0x1  }
0x8a: {  	s1 =	srdreg.scid  }
0x8b: {  	s0 =	sand.u32 $0x1, s1  }
0x8c: {  	s16 =	sshll.u32 s0, $0xA;
	s2 =	sadd.s32 s3, s2  }
0x8d: {  	s2 =	sadd.s32 s2, s16  }
0x8e: {  	[smem:$0x3FC7] =	sst s2  }
0x8f: {  	_ = 	snop  }
0x90: {  	(tm) =	ssettm $0x1  }
0x91: {  	s17 =	sld [smem:$0x3FFB];
	_ =	sdelay $0x3  }
0x92: {  	_ =	strace s17  }
0x93: {  	s2 =	sld [smem:$0x3FFC];
	_ =	sdelay $0x3  }
0x94: {  	_ =	strace s2  }
0x95: {  	s2 =	sld [smem:$0x3FFD];
	_ =	sdelay $0x3  }
0x96: {  	_ =	strace s2  }
0x97: {  	_ =	strace $0x8FFFFFFF  }
0x98: {  	s18 =	sld [smem:$0x3FDB];
	_ =	sdelay $0x1  }
0x99: {  	s19 =	simm.s32 $_scs_section_size  }
0x9a: {  	s4 =	simm.s32 $_size__tile_overlayer_lowered;
	s5 =	simm.s32 $_tile_overlayer_lowered  }
0x9b: {  	s22 =	simm.s32 $0x1BFF;
	s21 =	sshll.u32 s5, $0x1;
	s2 =	sadd.s32 s19, s18  }
0x9c: {  	s6 =	simm.s32 $0x0;
	s20 =	sshll.u32 s4, $0x1;
	s4 =	sadd.s32 s21, s2  }
0x9d: {  	[timem:s6], [sflag:s22] =	dma.local [hbm:s4], s20  }
0x9e: {  	_ =	swait.ge [sflag:s22], s20  }
0x9f: {  	s3 =	ssub.s32 $0x0, s20;
	[sflag:s22] =	ssyncset.done $0x0  }
0xa0: {  	[sflag:s22] =	ssyncadd.s32 s3;
	_ =	sdelay $0x1  }
0xa1: {  	s23 =	simm.s32 $0x1B8B  }
0xa2: {  	_ =	swait.ge [sflag:s23], $0x1  }
0xa3: {  	[sflag:s23] =	ssyncset.done $0x0  }
0xa4: {  	s25 =	simm.s32 $0x1B8E;
	s24 =	sld [smem:$0x3FFE];
	[sflag:s23] =	ssyncadd.s32 $0xFFFFFFFF  }
0xa5: {  	s26 =	simm.s32 $execute0_lowered;
	[smem:$0x3FD2] =	sst s25  }
0xa6: {  	s4 =	sshll.u32 s26, $0x1;
	_ =	strace $0x80000046;
	[dreg:$0x1] =	wrdreg $0xFFFFFFFF  }
0xa7: {  	s28 =	simm.s32 $_size_execute0_lowered;
	s2 =	sadd.s32 s2, s4;
	[dreg:$0x0] =	wrdreg $0x0  }
0xa8: {  	s4 =	sshll.u32 s28, $0x1;
	[dreg:$0x2] =	wrdreg s2  }
0xa9: {  	[dreg:$0x3] =	wrdreg s4  }
0xaa: {  	[dreg:$0x4] =	wrdreg $0xC0  }
0xab: {  	_ =	task [dreg:s6], $0x5FFFF  }
0xac: {  	[dreg:$0x1] =	wrdreg $0xFFFFFFFF  }
0xad: {  	[dreg:$0x0] =	wrdreg $0x60  }
0xae: {  	[dreg:$0x2] =	wrdreg s24  }
0xaf: {  	[dreg:$0x3] =	wrdreg $0x9  }
0xb0: {  	_ =	task.clear_ibuf [dreg:s6], $0x4FFFF;
	_ =	strace $0x90000046  }
0xb1: {  	s29 =	simm.s32 $0x9;
	_ =	strace $0x80000048  }
0xb2: {  	_ =	swait.ge [sflag:s29], $0x1  }
0xb3: {  	[sflag:s29] =	ssyncadd.s32 $0xFFFFFFFF  }
0xb4: {  	_ =	strace $0x90000048  }
0xb5: {  	_ =	sfence  }
0xb6: {  	s30 =	sld [smem:$0x0];
	_ =	sdelay $0x2  }
0xb7: {  	s31 =	sshll.u32 s1, $0xD;
	s1 =	sshrl.u32 s1, $0x2  }
0xb8: {  	s3 =	sand.u32 $0x4000, s31;
	s1 =	sadd.s32 s1, s30  }
0xb9: {  	s0 =	sor.u32 s3, s0;
	s1 =	sshll.u32 s1, $0x11  }
0xba: {  	s0 =	sor.u32 s1, s0  }
0xbb: {  	s0 =	sadd.s32 $0x8F2B, s0  }
0xbc: {  	[sflag:s0] =	ssyncadd.remote.s32 $0x1  }
0xbd: {  	_ =	sfence.sel $0xFFFF  }
0xbe: {  	[dreg:$0x0] =	wrdreg $0xFFFFFFFF;
	(pc) =	sbr.abs _section_cstart, $3  }
0xbf: {  	[dreg:$0x1] =	wrdreg $0xFFFFFFFF  }
0xc0: {  	_ =	task.clear_ibuf [dreg:s6], $0x2FFFF;
	_ =	strace $0x9FFFFFFF  }
0xc1: {  	(tm) =	ssettm $0x7FFFFFFF  }
tec
execute0_lowered:
.L_overlay_start_1:
0x0: {  	(tag) =	ssettag $0x1  }
0x1: {  	s0 =	srdreg.scid  }
0x2: {  	s3 =	rddreg [dreg:$0x0];
	s1 =	stileid.u32;
	s2 =	simm.s32 $0x0  }
0x3: {  	s20 =	simm.s32 $0x1;
	s21 =	simm.s32 $0x0;
	s4 =	sand.u32 $0x1, s0  }
0x4: {  	s0 =	rddreg [dreg:$0x1];
	s5 =	sshll.u32 s1, $0x12;
	s6 =	sshll.u32 s4, $0x11  }
0x5: {  	[smem:$0x7FF] =	sst s2;
	s4 =	ssub.s32 $0x2, s4;
	s5 =	sor.u32 s6, s5  }
0x6: {  	_ =	strace $0x80000047;
	s31 =	sshrl.u32 s4, $0x1;
	s18 =	sadd.s32 s5, s3  }
0x7: {  	s19 =	ssub.s32 s4, s31;
	s3 =	sadd.s32 $0x400, s18;
	s4 =	sadd.s32 $0x2400, s18  }
0x8: {  	s5 =	sadd.s32 $0x4400, s18;
	s6 =	sadd.s32 $0x6400, s18;
	s7 =	sadd.s32 $0x8400, s18  }
0x9: {  	s8 =	sadd.s32 $0xA400, s18;
	s9 =	sadd.s32 $0xC400, s18;
	s10 =	sadd.s32 $0xE400, s18  }
0xa: {  	s11 =	sadd.s32 $0x10400, s18;
	s12 =	sadd.s32 $0x12400, s18;
	s13 =	sadd.s32 $0x14400, s18  }
0xb: {  	s14 =	sadd.s32 $0x16400, s18;
	s15 =	sadd.s32 $0x18400, s18;
	s16 =	sadd.s32 $0x1A400, s18  }
0xc: {  	v0 =	vimm.f32 $0.0e+00;
	s17 =	sadd.s32 $0x1C400, s18;
	s18 =	sadd.s32 $0x1E400, s18;
	s19 =	smax.u32 s19, $0x1  }
.LBB2_1:
0xd: {  	s22 =	simm.s32 $0x40;
	s23 =	simm.s32 $0x0  }
.LBB2_2:
0xe: {  	p0 =	sne.s32 s22, $0x3FFC0;
	[tilespmem:s23+$0x0] =	vst v0;
	s23 =	smov.u32 s22;
	s22 =	sadd.s32 $0x40, s22  }
.Ltmp0:
0xf: {  	(pc) =	sbr.rel @p0 .LBB2_2-.Ltmp0, $2  }
0x10: {  	_ =	sdelay $0x2  }
0x11: {  	s23 =	sshra.s32 s23, $0x2  }
0x12: {  	[tilespmem:s23+$0x0] =	vst v0  }
0x13: {  	[hbm4b:s3+s2] =	stream.linear.scatter [tilespmem:s2], [sflag:$0x1], $0x10000, $0x38;
	[tilespmem:$0x10000] =	vst v63  }
0x14: {  	_ = 	snop  }
0x15: {  	[hbm4b:s4+s2] =	stream.linear.scatter [tilespmem:s2], [sflag:$0x1], $0x10000, $0x38;
	[tilespmem:$0x10000] =	vst v63  }
0x16: {  	_ = 	snop  }
0x17: {  	[hbm4b:s5+s2] =	stream.linear.scatter [tilespmem:s2], [sflag:$0x1], $0x10000, $0x38;
	[tilespmem:$0x10000] =	vst v63  }
0x18: {  	_ = 	snop  }
0x19: {  	[hbm4b:s6+s2] =	stream.linear.scatter [tilespmem:s2], [sflag:$0x1], $0x10000, $0x38;
	[tilespmem:$0x10000] =	vst v63  }
0x1a: {  	_ = 	snop  }
0x1b: {  	[hbm4b:s7+s2] =	stream.linear.scatter [tilespmem:s2], [sflag:$0x1], $0x10000, $0x38;
	[tilespmem:$0x10000] =	vst v63  }
0x1c: {  	_ = 	snop  }
0x1d: {  	[hbm4b:s8+s2] =	stream.linear.scatter [tilespmem:s2], [sflag:$0x1], $0x10000, $0x38;
	[tilespmem:$0x10000] =	vst v63  }
0x1e: {  	_ = 	snop  }
0x1f: {  	[hbm4b:s9+s2] =	stream.linear.scatter [tilespmem:s2], [sflag:$0x1], $0x10000, $0x38;
	[tilespmem:$0x10000] =	vst v63  }
0x20: {  	_ = 	snop  }
0x21: {  	[hbm4b:s10+s2] =	stream.linear.scatter [tilespmem:s2], [sflag:$0x1], $0x10000, $0x38;
	[tilespmem:$0x10000] =	vst v63  }
0x22: {  	_ = 	snop  }
0x23: {  	[hbm4b:s11+s2] =	stream.linear.scatter [tilespmem:s2], [sflag:$0x1], $0x10000, $0x38;
	[tilespmem:$0x10000] =	vst v63  }
0x24: {  	_ = 	snop  }
0x25: {  	[hbm4b:s12+s2] =	stream.linear.scatter [tilespmem:s2], [sflag:$0x1], $0x10000, $0x38;
	[tilespmem:$0x10000] =	vst v63  }
0x26: {  	_ = 	snop  }
0x27: {  	[hbm4b:s13+s2] =	stream.linear.scatter [tilespmem:s2], [sflag:$0x1], $0x10000, $0x38;
	[tilespmem:$0x10000] =	vst v63  }
0x28: {  	_ = 	snop  }
0x29: {  	[hbm4b:s14+s2] =	stream.linear.scatter [tilespmem:s2], [sflag:$0x1], $0x10000, $0x38;
	[tilespmem:$0x10000] =	vst v63  }
0x2a: {  	_ = 	snop  }
0x2b: {  	[hbm4b:s15+s2] =	stream.linear.scatter [tilespmem:s2], [sflag:$0x1], $0x10000, $0x38;
	[tilespmem:$0x10000] =	vst v63  }
0x2c: {  	_ = 	snop  }
0x2d: {  	[hbm4b:s16+s2] =	stream.linear.scatter [tilespmem:s2], [sflag:$0x1], $0x10000, $0x38;
	[tilespmem:$0x10000] =	vst v63  }
0x2e: {  	_ = 	snop  }
0x2f: {  	[hbm4b:s17+s2] =	stream.linear.scatter [tilespmem:s2], [sflag:$0x1], $0x10000, $0x38;
	[tilespmem:$0x10000] =	vst v63  }
0x30: {  	_ = 	snop  }
0x31: {  	[hbm4b:s18+s2] =	stream.linear.scatter [tilespmem:s2], [sflag:$0x1], $0x10000, $0x38;
	[tilespmem:$0x10000] =	vst v63  }
0x32: {  	_ =	swait.ge [sflag:s20], $0x10000  }
0x33: {  	[sflag:s20] =	ssyncset.done $0x0  }
0x34: {  	[sflag:s20] =	ssyncadd.s32 $0xFFFF0000  }
0x35: {  	_ =	swait.ge [sflag:s20], $0x10000  }
0x36: {  	[sflag:s20] =	ssyncset.done $0x0  }
0x37: {  	[sflag:s20] =	ssyncadd.s32 $0xFFFF0000  }
0x38: {  	_ =	swait.ge [sflag:s20], $0x10000  }
0x39: {  	[sflag:s20] =	ssyncset.done $0x0  }
0x3a: {  	[sflag:s20] =	ssyncadd.s32 $0xFFFF0000  }
0x3b: {  	_ =	swait.ge [sflag:s20], $0x10000  }
0x3c: {  	[sflag:s20] =	ssyncset.done $0x0  }
0x3d: {  	[sflag:s20] =	ssyncadd.s32 $0xFFFF0000  }
0x3e: {  	_ =	swait.ge [sflag:s20], $0x10000  }
0x3f: {  	[sflag:s20] =	ssyncset.done $0x0  }
0x40: {  	[sflag:s20] =	ssyncadd.s32 $0xFFFF0000  }
0x41: {  	_ =	swait.ge [sflag:s20], $0x10000  }
0x42: {  	[sflag:s20] =	ssyncset.done $0x0  }
0x43: {  	[sflag:s20] =	ssyncadd.s32 $0xFFFF0000  }
0x44: {  	_ =	swait.ge [sflag:s20], $0x10000  }
0x45: {  	[sflag:s20] =	ssyncset.done $0x0  }
0x46: {  	[sflag:s20] =	ssyncadd.s32 $0xFFFF0000  }
0x47: {  	_ =	swait.ge [sflag:s20], $0x10000  }
0x48: {  	[sflag:s20] =	ssyncset.done $0x0  }
0x49: {  	[sflag:s20] =	ssyncadd.s32 $0xFFFF0000  }
0x4a: {  	_ =	swait.ge [sflag:s20], $0x10000  }
0x4b: {  	[sflag:s20] =	ssyncset.done $0x0  }
0x4c: {  	[sflag:s20] =	ssyncadd.s32 $0xFFFF0000  }
0x4d: {  	_ =	swait.ge [sflag:s20], $0x10000  }
0x4e: {  	[sflag:s20] =	ssyncset.done $0x0  }
0x4f: {  	[sflag:s20] =	ssyncadd.s32 $0xFFFF0000  }
0x50: {  	_ =	swait.ge [sflag:s20], $0x10000  }
0x51: {  	[sflag:s20] =	ssyncset.done $0x0  }
0x52: {  	[sflag:s20] =	ssyncadd.s32 $0xFFFF0000  }
0x53: {  	_ =	swait.ge [sflag:s20], $0x10000  }
0x54: {  	[sflag:s20] =	ssyncset.done $0x0  }
0x55: {  	[sflag:s20] =	ssyncadd.s32 $0xFFFF0000  }
0x56: {  	_ =	swait.ge [sflag:s20], $0x10000  }
0x57: {  	[sflag:s20] =	ssyncset.done $0x0  }
0x58: {  	[sflag:s20] =	ssyncadd.s32 $0xFFFF0000  }
0x59: {  	_ =	swait.ge [sflag:s20], $0x10000  }
0x5a: {  	[sflag:s20] =	ssyncset.done $0x0  }
0x5b: {  	s21 =	sadd.s32 $0x1, s21;
	[sflag:s20] =	ssyncadd.s32 $0xFFFF0000  }
0x5c: {  	p0 =	sne.s32 s21, s19;
	_ =	swait.ge [sflag:s20], $0x10000  }
.Ltmp1:
0x5d: {  	[sflag:s20] =	ssyncset.done $0x0;
	(pc) =	sbr.rel @p0 .LBB2_1-.Ltmp1, $4  }
0x5e: {  	[sflag:s20] =	ssyncadd.s32 $0xFFFF0000  }
0x5f: {  	_ =	swait.ge [sflag:s20], $0x10000  }
0x60: {  	[sflag:s20] =	ssyncset.done $0x0  }
0x61: {  	[sflag:s20] =	ssyncadd.s32 $0xFFFF0000  }
0x62: {  	_ =	sfence.sel $0x180000  }
0x63: {  	[bflag:$0x0] =	sbarrier.arrive $0xFFFF  }
0x64: {  	p0 =	sne.s32 s1, $0x0;
	_ =	strace $0x90000047  }
0x65: {  	s0 =	sadd.s32 @!p0 $0x100000, s0;
	[bflag:$0x2] =	sbarrier.arrive $0xFFFF  }
0x66: {  	[sflag:s0] =	ssyncadd.tile.s32 @!p0 $0x1;
	_ =	shalt  }
.Lfunc_end2:
_tile_overlayer_lowered:
.L_overlay_start_2:
0x67: {  	(tag) =	ssettag $0x2  }
0x68: {  	s0 =	rddreg [dreg:$0x0];
	s2 =	stileid.u32  }
0x69: {  	s1 =	rddreg [dreg:$0x1];
	p0 =	sne.s32 s2, $0x0  }
0x6a: {  	s3 =	rddreg [dreg:$0x2];
	[bflag:$0x3] =	sbarrier.arrive $0xFFFF;
	s2 =	simm.s32 @!p0 $0x1C02  }
0x6b: {  	[timem:s3], [sflag:s2] =	dma.local @!p0 [hbm:s0], s1  }
0x6c: {  	s0 =	simm.s32 @!p0 $0x2  }
0x6d: {  	_ =	swait.ge @!p0 [sflag:s0], s1  }
0x6e: {  	s1 =	ssub.s32 @!p0 $0x0, s1;
	[sflag:s0] =	ssyncset.done @!p0 $0x0  }
0x6f: {  	[sflag:s0] =	ssyncadd.s32 @!p0 s1  }
0x70: {  	[bflag:$0x3] =	sbarrier.arrive $0xFFFF  }
0x71: {  	_ =	shalt  }

// kernel: kernel.8.cloned.1.call-start
scs
__scs_entry_jumppad:
0x0: {  	(pc) =	sbr.rel $0x88, $3  }
0x1: {  	(tag) =	ssettag $0x0;
	lr =	simm.s32 $0x1  }
0x2: {  	[smem:$0x3FA0] =	sst lr;
	_ =	strace $0xD0000000  }
0x3: {  	_ = 	snop  }
0x4: {  	_ = 	snop  }
0x5: {  	_ = 	snop  }
0x6: {  	_ = 	snop  }
0x7: {  	_ = 	snop  }
__scs_overlays_trampoline_lowered:
0x8: {  	[smem:$0x3FAF] =	sst s0  }
0x9: {  	[smem:$0x3FB0] =	sst s1  }
0xa: {  	[smem:$0x3FB1] =	sst s2  }
0xb: {  	[smem:$0x3FB2] =	sst s3  }
0xc: {  	[smem:$0x3FB3] =	sst s4  }
0xd: {  	[smem:$0x3FB4] =	sst s5  }
0xe: {  	[smem:$0x3FB5] =	sst s6  }
0xf: {  	[smem:$0x3FB6] =	sst s7  }
0x10: {  	[smem:$0x3FB7] =	sst s8  }
0x11: {  	[smem:$0x3FB8] =	sst s9;
	s0 =	simm.s32 @!p0 $0x0  }
0x12: {  	s1 =	sld [smem:$0x3F9E];
	s0 =	simm.s32 @p0 $0x1  }
0x13: {  	[smem:$0x3FB9] =	sst s0;
	s0 =	simm.s32 @!p1 $0x0  }
0x14: {  	s2 =	sld [smem:$0x3F9D];
	s0 =	simm.s32 @p1 $0x1  }
0x15: {  	[smem:$0x3FBA] =	sst s0;
	s0 =	simm.s32 @!p2 $0x0  }
0x16: {  	s3 =	sld [smem:$0x3FDB];
	s0 =	simm.s32 @p2 $0x1  }
0x17: {  	s4 =	simm.s32 $0x1BF5;
	[smem:$0x3FBC] =	sst s0  }
0x18: {  	s0 =	sld [smem:$0x3F9F];
	_ =	swait.ge [sflag:s4], $0x0  }
0x19: {  	s7 =	sld [smem:$0x3FA0]  }
0x1a: {  	s8 =	sadd.s32 $0xFFFFE003, lr  }
0x1b: {  	s9 =	sadd.s32 $0xFFFFFEF7, lr;
	s5 =	simm.s32 $0xFFFFFFFF;
	p2 =	slt.u32 s8, $0xFFFFF086  }
0x1c: {  	p1 =	slt.u32 s9, $0xF7A;
	s5 =	simm.s32 @!p2 $0x0  }
0x1d: {  	s5 =	simm.s32 @p1 $0x1;
	p0 =	seq.s32 s7, s2  }
0x1e: {  	s7 =	smul.u32 @!p0 $0xF7A, s2;
	p2 =	seq.s32 @!p0 s5, $0x0  }
0x1f: {  	s9 =	smul.u32 $0xF7A, s1;
	s8 =	simm.s32 @!p0 $0x1BF5;
	p2 =	por !p2, p0  }
0x20: {  	[sflag:s8] =	ssyncset.s32 @!p0 $0xFFFFF086;
	s6 =	sadd.s32 @!p0 s3, s7;
	s7 =	simm.s32 @!p0 $0x108  }
0x21: {  	s3 =	sadd.s32 s3, s9;
	s6 =	sadd.s32 @!p0 $0x88, s6;
	s7 =	simm.s32 @p2 $0x1082  }
0x22: {  	[simem:s7], [sflag:s8] =	dma.local @!p0 [hbm:s6], $0xF7A  }
0x23: {  	s9 =	sor.u32 $0xD0000000, s2;
	s6 =	simm.s32 $0x108;
	_ =	swait.ge @!p0 [sflag:s8], $0x0  }
0x24: {  	s3 =	sadd.s32 $0x88, s3;
	s6 =	simm.s32 @!p1 $0x1082;
	[sflag:s4] =	ssyncset.s32 $0xFFFFF086  }
0x25: {  	[simem:s6], [sflag:s4] =	dma.local [hbm:s3], $0xF7A  }
0x26: {  	[smem:$0x3FA0] =	sst s1;
	(tag) =	ssettag s2;
	_ =	strace s9  }
0x27: {  	s1 =	sld [smem:$0x3FB0]  }
0x28: {  	s2 =	sld [smem:$0x3FB1]  }
0x29: {  	s4 =	sld [smem:$0x3FB3]  }
0x2a: {  	p0 =	seq.s32 s5, $0x0;
	s5 =	sld [smem:$0x3FB4]  }
0x2b: {  	s6 =	sld [smem:$0x3FB5]  }
0x2c: {  	s7 =	sld [smem:$0x3FB6]  }
0x2d: {  	s3 =	simm.s32 $0x108;
	s8 =	sld [smem:$0x3FB7]  }
0x2e: {  	s3 =	simm.s32 @!p0 $0x1082;
	s9 =	sld [smem:$0x3FB8]  }
0x2f: {  	lr =	sadd.s32 s0, s3;
	s0 =	sld [smem:$0x3FAF]  }
0x30: {  	s3 =	sld [smem:$0x3FB2]  }
0x31: {  	[smem:$0x3FBB] =	sst s10  }
0x32: {  	s10 =	sld [smem:$0x3FB9];
	_ =	sdelay $0x3  }
0x33: {  	p0 =	seq.s32 s10, $0x1;
	s10 =	sld [smem:$0x3FBB];
	_ =	sdelay $0x3  }
0x34: {  	[smem:$0x3FBB] =	sst s10  }
0x35: {  	s10 =	sld [smem:$0x3FBA];
	_ =	sdelay $0x3  }
0x36: {  	p1 =	seq.s32 s10, $0x1;
	s10 =	sld [smem:$0x3FBB];
	_ =	sdelay $0x3  }
0x37: {  	[smem:$0x3FBB] =	sst s10  }
0x38: {  	s10 =	sld [smem:$0x3FBC]  }
0x39: {  	_ = 	snop;
	(pc) =	sbr.ind lr, $3  }
0x3a: {  	_ = 	snop  }
0x3b: {  	_ = 	snop  }
0x3c: {  	p2 =	seq.s32 s10, $0x1;
	s10 =	sld [smem:$0x3FBB]  }
0x3d: {  	_ =	shalt  }
0x3e: {  	_ =	shalt  }
0x3f: {  	_ =	shalt  }
0x40: {  	_ =	shalt  }
0x41: {  	_ =	shalt  }
0x42: {  	_ =	shalt  }
0x43: {  	_ =	shalt  }
0x44: {  	_ =	shalt  }
0x45: {  	_ =	shalt  }
0x46: {  	_ =	shalt  }
0x47: {  	_ =	shalt  }
0x48: {  	_ =	shalt  }
0x49: {  	_ =	shalt  }
0x4a: {  	_ =	shalt  }
0x4b: {  	_ =	shalt  }
0x4c: {  	_ =	shalt  }
0x4d: {  	_ =	shalt  }
0x4e: {  	_ =	shalt  }
0x4f: {  	_ =	shalt  }
0x50: {  	_ =	shalt  }
0x51: {  	_ =	shalt  }
0x52: {  	_ =	shalt  }
0x53: {  	_ =	shalt  }
0x54: {  	_ =	shalt  }
0x55: {  	_ =	shalt  }
0x56: {  	_ =	shalt  }
0x57: {  	_ =	shalt  }
0x58: {  	_ =	shalt  }
0x59: {  	_ =	shalt  }
0x5a: {  	_ =	shalt  }
0x5b: {  	_ =	shalt  }
0x5c: {  	_ =	shalt  }
0x5d: {  	_ =	shalt  }
0x5e: {  	_ =	shalt  }
0x5f: {  	_ =	shalt  }
0x60: {  	_ =	shalt  }
0x61: {  	_ =	shalt  }
0x62: {  	_ =	shalt  }
0x63: {  	_ =	shalt  }
0x64: {  	_ =	shalt  }
0x65: {  	_ =	shalt  }
0x66: {  	_ =	shalt  }
0x67: {  	_ =	shalt  }
0x68: {  	_ =	shalt  }
0x69: {  	_ =	shalt  }
0x6a: {  	_ =	shalt  }
0x6b: {  	_ =	shalt  }
0x6c: {  	_ =	shalt  }
0x6d: {  	_ =	shalt  }
0x6e: {  	_ =	shalt  }
0x6f: {  	_ =	shalt  }
0x70: {  	_ =	shalt  }
0x71: {  	_ =	shalt  }
0x72: {  	_ =	shalt  }
0x73: {  	_ =	shalt  }
0x74: {  	_ =	shalt  }
0x75: {  	_ =	shalt  }
0x76: {  	_ =	shalt  }
0x77: {  	_ =	shalt  }
0x78: {  	_ =	shalt  }
0x79: {  	_ =	shalt  }
0x7a: {  	_ =	shalt  }
0x7b: {  	_ =	shalt  }
0x7c: {  	_ =	shalt  }
0x7d: {  	_ =	shalt  }
0x7e: {  	_ =	shalt  }
0x7f: {  	_ =	shalt  }
0x80: {  	_ =	shalt  }
0x81: {  	_ =	shalt  }
0x82: {  	_ =	shalt  }
0x83: {  	_ =	shalt  }
0x84: {  	_ =	shalt  }
0x85: {  	_ =	shalt  }
0x86: {  	_ =	shalt  }
0x87: {  	_ =	shalt  }
.Lfunc_end0:
.L_simem_size_0:
called_computation.1_lowered:
.L_overlay_start_0:
0x88: {  	s2 =	sld [smem:$0x3FD9]  }
0x89: {  	s3 =	sld [smem:$0x3FFE];
	_ =	sdelay $0x1  }
0x8a: {  	s1 =	srdreg.scid  }
0x8b: {  	s0 =	sand.u32 $0x1, s1  }
0x8c: {  	s17 =	sshll.u32 s0, $0xA;
	s2 =	sadd.s32 s3, s2  }
0x8d: {  	s2 =	sadd.s32 s2, s17  }
0x8e: {  	[smem:$0x3FC7] =	sst s2  }
0x8f: {  	_ = 	snop  }
0x90: {  	s2 =	sld [smem:$0x3FD0];
	(tm) =	ssettm $0x1  }
0x91: {  	s18 =	sld [smem:$0x3FFB];
	_ =	sdelay $0x3  }
0x92: {  	_ =	strace s18  }
0x93: {  	s3 =	sld [smem:$0x3FFC];
	_ =	sdelay $0x3  }
0x94: {  	_ =	strace s3  }
0x95: {  	s3 =	sld [smem:$0x3FFD];
	_ =	sdelay $0x3  }
0x96: {  	_ =	strace s3  }
0x97: {  	_ =	strace $0x8FFFFFFF  }
0x98: {  	s19 =	sld [smem:$0x3FDB];
	_ =	sdelay $0x1  }
0x99: {  	s4 =	simm.s32 $_scs_section_size  }
0x9a: {  	s5 =	simm.s32 $_size__tile_overlayer_lowered;
	s6 =	simm.s32 $_tile_overlayer_lowered  }
0x9b: {  	s22 =	simm.s32 $0x1BFF;
	s21 =	sshll.u32 s6, $0x1;
	s3 =	sadd.s32 s4, s19  }
0x9c: {  	s7 =	simm.s32 $0x0;
	s20 =	sshll.u32 s5, $0x1;
	s5 =	sadd.s32 s21, s3  }
0x9d: {  	[timem:s7], [sflag:s22] =	dma.local [hbm:s5], s20  }
0x9e: {  	_ =	swait.ge [sflag:s22], s20  }
0x9f: {  	s4 =	ssub.s32 $0x0, s20;
	[sflag:s22] =	ssyncset.done $0x0  }
0xa0: {  	[sflag:s22] =	ssyncadd.s32 s4;
	_ =	sdelay $0x1  }
0xa1: {  	s23 =	simm.s32 $0x1B8B  }
0xa2: {  	_ =	swait.ge [sflag:s23], $0x1  }
0xa3: {  	[sflag:s23] =	ssyncset.done $0x0  }
0xa4: {  	s25 =	simm.s32 $0x1B8E;
	s24 =	sld [smem:$0x3FFE];
	[sflag:s23] =	ssyncadd.s32 $0xFFFFFFFF  }
0xa5: {  	s26 =	simm.s32 $execute0_lowered;
	[smem:$0x3FD2] =	sst s25  }
0xa6: {  	s5 =	sshll.u32 s26, $0x1;
	_ =	strace $0x80000049;
	[dreg:$0x1] =	wrdreg $0xFFFFFFFF  }
0xa7: {  	s28 =	simm.s32 $_size_execute0_lowered;
	s3 =	sadd.s32 s3, s5;
	[dreg:$0x0] =	wrdreg $0x0  }
0xa8: {  	s5 =	sshll.u32 s28, $0x1;
	[dreg:$0x2] =	wrdreg s3  }
0xa9: {  	[dreg:$0x3] =	wrdreg s5  }
0xaa: {  	[dreg:$0x4] =	wrdreg $0xC0  }
0xab: {  	_ =	task [dreg:s7], $0x5FFFF  }
0xac: {  	[dreg:$0x1] =	wrdreg $0xFFFFFFFF  }
0xad: {  	[dreg:$0x0] =	wrdreg $0x60  }
0xae: {  	[dreg:$0x2] =	wrdreg s2  }
0xaf: {  	[dreg:$0x3] =	wrdreg s24  }
0xb0: {  	[dreg:$0x4] =	wrdreg $0x9  }
0xb1: {  	_ =	task.clear_ibuf [dreg:s7], $0x5FFFF;
	_ =	strace $0x90000049  }
0xb2: {  	s29 =	simm.s32 $0x9;
	_ =	strace $0x8000004B  }
0xb3: {  	_ =	swait.ge [sflag:s29], $0x1  }
0xb4: {  	[sflag:s29] =	ssyncadd.s32 $0xFFFFFFFF  }
0xb5: {  	_ =	strace $0x9000004B  }
0xb6: {  	_ =	sfence  }
0xb7: {  	s30 =	sld [smem:$0x0];
	_ =	sdelay $0x2  }
0xb8: {  	s31 =	sshll.u32 s1, $0xD;
	s1 =	sshrl.u32 s1, $0x2  }
0xb9: {  	s3 =	sand.u32 $0x4000, s31;
	s1 =	sadd.s32 s1, s30  }
0xba: {  	s0 =	sor.u32 s3, s0;
	s1 =	sshll.u32 s1, $0x11  }
0xbb: {  	s0 =	sor.u32 s1, s0  }
0xbc: {  	s0 =	sadd.s32 $0x8F2B, s0  }
0xbd: {  	[sflag:s0] =	ssyncadd.remote.s32 $0x1  }
0xbe: {  	_ =	sfence.sel $0xFFFF  }
0xbf: {  	[dreg:$0x0] =	wrdreg $0xFFFFFFFF;
	(pc) =	sbr.abs _section_cstart, $3  }
0xc0: {  	[dreg:$0x1] =	wrdreg $0xFFFFFFFF  }
0xc1: {  	_ =	task.clear_ibuf [dreg:s7], $0x2FFFF;
	_ =	strace $0x9FFFFFFF  }
0xc2: {  	(tm) =	ssettm $0x7FFFFFFF  }
0xc3: {  	_ =	shalt  }
tec
execute0_lowered:
.L_overlay_start_1:
0x0: {  	(tag) =	ssettag $0x1  }
0x1: {  	s5 =	rddreg [dreg:$0x0]  }
0x2: {  	s4 =	rddreg [dreg:$0x1];
	s2 =	srdreg.scid  }
0x3: {  	s0 =	rddreg [dreg:$0x2];
	s1 =	stileid.u32;
	s9 =	simm.s32 $0x100  }
0x4: {  	s10 =	simm.s32 $0x1;
	s11 =	simm.s32 $0x0;
	s3 =	sand.u32 $0x1, s2  }
0x5: {  	s2 =	simm.s32 $0x0;
	s6 =	sshll.u32 s1, $0x8;
	s4 =	sadd.s32 $0x400, s4  }
0x6: {  	s7 =	sshll.u32 s3, $0x7;
	[smem:$0x7FF] =	sst s2;
	s8 =	ssub.s32 $0x2, s3  }
0x7: {  	s3 =	sor.u32 s7, s6;
	_ =	strace $0x8000004A;
	s31 =	sshrl.u32 s8, $0x1  }
0x8: {  	v0 =	vlaneseq.u32;
	s7 =	sshrl.u32 s3, $0x3;
	s6 =	ssub.s32 s8, s31;
	s8 =	simm.s32 $0x80  }
0x9: {  	v1 =	vimm.f32 $1.000000000e+00;
	v0 =	vmul.u32 $0x2000, v0;
	s5 =	sadd.s32 s5, s7;
	s6 =	smax.u32 s6, $0x1;
	s7 =	simm.s32 $0x2  }
.LBB2_1:
0xa: {  	[tilespmem:s2], [sflag:$0x2] =	stream.linear.gather [hbm4b:s5+s2], $0x80, $0x38;
	[tilespmem:$0x180] =	vst v63  }
0xb: {  	_ =	swait.ge [sflag:s7], $0x80  }
0xc: {  	[sflag:s7] =	ssyncset.done $0x0  }
0xd: {  	s12 =	simm.s32 $0x0;
	[sflag:s7] =	ssyncadd.s32 $0xFFFFFF80  }
0xe: {  	v2 =	vld [tilespmem:s12+$0x0];
	_ =	sdelay $0x1  }
0xf: {  	v3 =	vmov s3  }
0x10: {  	v3 =	vshll.u32 v3, $0xD  }
0x11: {  	s13 =	simm.s32 $0x40;
	s14 =	smov.u32 s3;
	v3 =	vor.u32 v0, v3;
	[tilespmem:s12+$0x100] =	vst v1  }
.LBB2_2:
0x12: {  	s15 =	sshra.s32 s13, $0x2;
	p0 =	sne.s32 s13, $0x1C0;
	s13 =	sadd.s32 $0x40, s13;
	v3 =	vadd.s32 v3, v2  }
.Ltmp0:
0x13: {  	v2 =	vld [tilespmem:s15+$0x0];
	[tilespmem:s12+$0x80] =	vst v3;
	s12 =	smov.u32 s15;
	(pc) =	sbr.rel @p0 .LBB2_2-.Ltmp0, $4  }
0x14: {  	s14 =	sadd.s32 $0x10, s14;
	[tilespmem:s12+$0x100] =	vst v1  }
0x15: {  	v3 =	vmov s14  }
0x16: {  	v3 =	vshll.u32 v3, $0xD  }
0x17: {  	v3 =	vor.u32 v0, v3  }
0x18: {  	s11 =	sadd.s32 $0x1, s11  }
0x19: {  	v2 =	vadd.s32 v3, v2;
	p0 =	sne.s32 s11, s6  }
.Ltmp1:
0x1a: {  	[tilespmem:s12+$0x80] =	vst v2;
	(pc) =	sbr.rel @p0 .LBB2_1-.Ltmp1, $4  }
0x1b: {  	[hbm4b:s4+s8] =	stream.indirect.scatter [tilespmem:s9], [sflag:$0x1], $0x1, s8, s8, $0xb8;
	[tilespmem:$0x180] =	vst v63  }
0x1c: {  	_ =	swait.ge [sflag:s10], $0x80  }
0x1d: {  	[sflag:s10] =	ssyncset.done $0x0  }
0x1e: {  	[sflag:s10] =	ssyncadd.s32 $0xFFFFFF80  }
0x1f: {  	_ =	sfence.sel $0x180000  }
0x20: {  	[bflag:$0x0] =	sbarrier.arrive $0xFFFF  }
0x21: {  	p0 =	sne.s32 s1, $0x0;
	_ =	strace $0x9000004A  }
0x22: {  	s0 =	sadd.s32 @!p0 $0x100000, s0;
	[bflag:$0x2] =	sbarrier.arrive $0xFFFF  }
0x23: {  	[sflag:s0] =	ssyncadd.tile.s32 @!p0 $0x1;
	_ =	shalt  }
.Lfunc_end2:
_tile_overlayer_lowered:
.L_overlay_start_2:
0x24: {  	(tag) =	ssettag $0x2  }
0x25: {  	s0 =	rddreg [dreg:$0x0];
	s2 =	stileid.u32  }
0x26: {  	s1 =	rddreg [dreg:$0x1];
	p0 =	sne.s32 s2, $0x0  }
0x27: {  	s3 =	rddreg [dreg:$0x2];
	[bflag:$0x3] =	sbarrier.arrive $0xFFFF;
	s2 =	simm.s32 @!p0 $0x1C02  }
0x28: {  	[timem:s3], [sflag:s2] =	dma.local @!p0 [hbm:s0], s1  }
0x29: {  	s0 =	simm.s32 @!p0 $0x2  }
0x2a: {  	_ =	swait.ge @!p0 [sflag:s0], s1  }
0x2b: {  	s1 =	ssub.s32 @!p0 $0x0, s1;
	[sflag:s0] =	ssyncset.done @!p0 $0x0  }
0x2c: {  	[sflag:s0] =	ssyncadd.s32 @!p0 s1  }
0x2d: {  	[bflag:$0x3] =	sbarrier.arrive $0xFFFF  }
0x2e: {  	_ =	shalt  }

</sc_bundles>
